<compile_context>
chip_gen: v7x
topology: tpu7x:2x2x1
jax: 0.10.2.dev20260603
libtpu: 0.0.44.dev20260713+nightly
codegen_flags: <defaults>
</compile_context>

<pallas_src>
import functools

import jax
import jax.numpy as jnp
from jax.experimental import pallas as pl

_N = 1048576
_BATCH = 8
_K = 4096
_BLK = 8192
_NBLK = _N // _BLK
_WIN = 163840

_HI = jax.lax.Precision.HIGHEST


def _score_body(x_ref, w1_ref, b1_ref, g1_ref, be1_ref, w2_ref, b2_ref,
                s_ref, bm_ref, bz_ref):
    x = x_ref[...]
    h = jnp.dot(x, w1_ref[...], preferred_element_type=jnp.float32,
                precision=None) + b1_ref[...]
    h = h / jnp.sqrt(1.0 + 1e-5) * g1_ref[...] + be1_ref[...]
    h = jnp.maximum(h, 0.0)
    s = jnp.dot(h, w2_ref[...], preferred_element_type=jnp.float32,
                precision=None)[:, 0] + b2_ref[0, 0]
    s_ref[0, 0, :] = s
    bm = jnp.max(s)
    bm_ref[...] = jnp.reshape(bm, (1, 1, 1))
    bz_ref[...] = jnp.reshape(jnp.sum(jnp.exp((s - bm) * 0.5)), (1, 1, 1))


def _fusion_body(sel_ref, sv_ref,
                 fw1_ref, fb1_ref, lg1_ref, lb1_ref,
                 fw2_ref, fb2_ref, lg2_ref, lb2_ref,
                 fw3_ref, fb3_ref, o_ref):
    w = sv_ref[0, 0, :]
    denom = jnp.sum(w) + 1e-8
    x = sel_ref[...] * (w / denom)[:, None]

    h = jnp.dot(x, fw1_ref[...], preferred_element_type=jnp.float32,
                precision=None) + fb1_ref[...]
    mu = jnp.mean(h, axis=-1, keepdims=True)
    v = jnp.mean((h - mu) ** 2, axis=-1, keepdims=True)
    h = (h - mu) / jnp.sqrt(v + 1e-5) * lg1_ref[...] + lb1_ref[...]
    h = jnp.maximum(h, 0.0)

    h = jnp.dot(h, fw2_ref[...], preferred_element_type=jnp.float32,
                precision=None) + fb2_ref[...]
    mu = jnp.mean(h, axis=-1, keepdims=True)
    v = jnp.mean((h - mu) ** 2, axis=-1, keepdims=True)
    h = (h - mu) / jnp.sqrt(v + 1e-5) * lg2_ref[...] + lb2_ref[...]
    h = jnp.maximum(h, 0.0)

    o_ref[...] = jnp.dot(h, fw3_ref[...], preferred_element_type=jnp.float32,
                         precision=None) + fb3_ref[...]


@functools.partial(jax.jit, static_argnames=())
def kernel(spatial_features, intensity_features, batch_idx, W1, b1, g1, be1,
           W2, b2, FW1, Fb1, LG1, LB1, FW2, Fb2, LG2, LB2, FW3, Fb3):
    combined = jnp.concatenate([spatial_features, intensity_features], axis=-1)

    full = lambda shape: pl.BlockSpec(shape, lambda i: (0,) * len(shape))
    scores, bmax, bzed = pl.pallas_call(
        _score_body,
        grid=(_NBLK,),
        in_specs=[
            pl.BlockSpec((_BLK, 4), lambda i: (i, 0)),
            full((4, 32)), full((1, 32)), full((1, 32)), full((1, 32)),
            full((32, 1)), full((1, 1)),
        ],
        out_specs=[
            pl.BlockSpec((1, 1, _BLK), lambda i: (i, 0, 0)),
            pl.BlockSpec((1, 1, 1), lambda i: (i, 0, 0)),
            pl.BlockSpec((1, 1, 1), lambda i: (i, 0, 0)),
        ],
        out_shape=[
            jax.ShapeDtypeStruct((_NBLK, 1, _BLK), jnp.float32),
            jax.ShapeDtypeStruct((_NBLK, 1, 1), jnp.float32),
            jax.ShapeDtypeStruct((_NBLK, 1, 1), jnp.float32),
        ],
    )(combined, W1.T, b1[None, :], g1[None, :], be1[None, :], W2.T, b2[None, :])

    scores = scores.reshape(_N)
    bmax = bmax.reshape(_NBLK)
    bzed = bzed.reshape(_NBLK)
    m = jnp.max(bmax)
    z = jnp.sum(bzed * jnp.exp((bmax - m) * 0.5))

    wkey = jnp.exp((scores - m) * 0.5) / z

    bi32 = batch_idx.astype(jnp.int32)
    starts = jnp.searchsorted(bi32, jnp.arange(_BATCH, dtype=jnp.int32),
                              side="left").astype(jnp.int32)
    pad_s = jnp.concatenate([wkey, jnp.full((_WIN,), -jnp.inf, jnp.float32)])
    pad_b = jnp.concatenate([bi32, jnp.full((_WIN,), -1, jnp.int32)])

    def window(bnum, start):
        sl = jax.lax.dynamic_slice_in_dim(pad_s, start, _WIN)
        bl = jax.lax.dynamic_slice_in_dim(pad_b, start, _WIN)
        return jnp.where(bl == bnum, sl, -jnp.inf)

    cand = jax.vmap(window)(jnp.arange(_BATCH, dtype=jnp.int32), starts)
    vals, locs = jax.lax.top_k(cand, _K)
    topi = starts[:, None] + locs
    sel = jnp.take(combined, topi.reshape(-1), axis=0)

    full_b = lambda shape: pl.BlockSpec(shape, lambda b: (0,) * len(shape))
    out = pl.pallas_call(
        _fusion_body,
        grid=(_BATCH,),
        in_specs=[
            pl.BlockSpec((_K, 4), lambda b: (b, 0)),
            pl.BlockSpec((1, 1, _K), lambda b: (b, 0, 0)),
            full_b((4, 64)), full_b((1, 64)), full_b((1, 64)), full_b((1, 64)),
            full_b((64, 32)), full_b((1, 32)), full_b((1, 32)), full_b((1, 32)),
            full_b((32, 4)), full_b((1, 4)),
        ],
        out_specs=pl.BlockSpec((_K, 4), lambda b: (b, 0)),
        out_shape=jax.ShapeDtypeStruct((_BATCH * _K, 4), jnp.float32),
    )(sel, vals.reshape(_BATCH, 1, _K),
      FW1.T, Fb1[None, :], LG1[None, :], LB1[None, :],
      FW2.T, Fb2[None, :], LG2[None, :], LB2[None, :],
      FW3.T, Fb3[None, :])

    return out.reshape(_BATCH, _K, 4)

# --- scband reference (transcript-rebuilt; emitter-appended) ---
"""Pipeline reference for scband-dual-point-encoder-51702816309282 (READ-ONLY COPY).

The authoritative reference and input builder live on the scoring server;
editing this copy changes nothing except your own understanding.
"""

import jax, jax.numpy as jnp
import numpy as np

OUTPUT_SIZE = 4096
N_POINTS = 1048576
BATCH = 8


def _xavier(key, fan_out, fan_in):
    b = (6.0 / (fan_in + fan_out)) ** 0.5
    return jax.random.uniform(key, (fan_out, fan_in), minval=-b, maxval=b, dtype=jnp.float32)


def setup_inputs(seed: int = 0):
    key = jax.random.key(seed)
    ks = jax.random.split(key, 10)
    spatial_features = jax.random.normal(ks[0], (N_POINTS, 3), dtype=jnp.float32)
    intensity_features = jax.random.uniform(ks[1], (N_POINTS, 1), dtype=jnp.float32)
    batch_idx = jnp.sort(jax.random.randint(ks[2], (N_POINTS,), 0, BATCH, dtype=jnp.int64))
    inp = {
        "spatial_features": spatial_features,
        "intensity_features": intensity_features,
        "batch_idx": batch_idx,
        "W1": _xavier(ks[3], 32, 4), "b1": jnp.zeros((32,), jnp.float32),
        "g1": jnp.ones((32,), jnp.float32), "be1": jnp.zeros((32,), jnp.float32),
        "W2": _xavier(ks[4], 1, 32), "b2": jnp.zeros((1,), jnp.float32),
        "FW1": _xavier(ks[5], 64, 4), "Fb1": jnp.zeros((64,), jnp.float32),
        "LG1": jnp.ones((64,), jnp.float32), "LB1": jnp.zeros((64,), jnp.float32),
        "FW2": _xavier(ks[6], 32, 64), "Fb2": jnp.zeros((32,), jnp.float32),
        "LG2": jnp.ones((32,), jnp.float32), "LB2": jnp.zeros((32,), jnp.float32),
        "FW3": _xavier(ks[7], 4, 32), "Fb3": jnp.zeros((4,), jnp.float32),
    }
    return inp


def _layernorm(x, g, b):
    m = x.mean(-1, keepdims=True)
    v = ((x - m) ** 2).mean(-1, keepdims=True)
    return (x - m) / jnp.sqrt(v + 1e-5) * g + b


def reference(spatial_features, intensity_features, batch_idx, W1, b1, g1, be1, W2, b2,
              FW1, Fb1, LG1, LB1, FW2, Fb2, LG2, LB2, FW3, Fb3):
    combined = jnp.concatenate([spatial_features, intensity_features], axis=-1)
    # sampler: Linear -> BatchNorm1d (eval: running_mean=0, running_var=1, eps=1e-5) -> ReLU -> (Dropout=identity) -> Linear
    h = combined @ W1.T + b1
    h = h / jnp.sqrt(1.0 + 1e-5) * g1 + be1
    h = jax.nn.relu(h)
    point_scores = (h @ W2.T + b2)[:, 0]
    weights = jax.nn.softmax(point_scores / 2.0, axis=0)
    batch_size = BATCH
    k = min(OUTPUT_SIZE, batch_idx.shape[0] // batch_size)
    selected = []
    for bnum in range(batch_size):
        in_b = batch_idx == bnum
        bw = jnp.where(in_b, weights, -jnp.inf)
        _, topi = jax.lax.top_k(bw, k)
        m = jnp.zeros(weights.shape, dtype=bool).at[topi].set(True)
        sw = weights * m.astype(weights.dtype)
        sw = sw / (sw.sum() + 1e-8)
        wf = combined * sw[:, None]
        selected.append(wf[topi])
    x = jnp.stack(selected)
    # fusion: Linear->LN->ReLU->Linear->LN->ReLU->Linear (dropout=identity)
    x = jax.nn.relu(_layernorm(x @ FW1.T + Fb1, LG1, LB1))
    x = jax.nn.relu(_layernorm(x @ FW2.T + Fb2, LG2, LB2))
    x = x @ FW3.T + Fb3
    return x.reshape(batch_size, OUTPUT_SIZE, 4)

if __name__ == "__main__":
    import jax
    _d = setup_inputs()
    print(jax.jit(kernel)(*tuple(_d.values())))

</pallas_src>

<mosaic_0001>
module attributes {stable_mosaic.version = 14 : i64} {
  func.func @_score_body(%arg0: i32, %arg1: memref<8192x4xf32, #tpu.memory_space<vmem>>, %arg2: memref<4x32xf32, #tpu.memory_space<vmem>>, %arg3: memref<1x32xf32, #tpu.memory_space<vmem>>, %arg4: memref<1x32xf32, #tpu.memory_space<vmem>>, %arg5: memref<1x32xf32, #tpu.memory_space<vmem>>, %arg6: memref<32x1xf32, #tpu.memory_space<vmem>>, %arg7: memref<1x1xf32, #tpu.memory_space<vmem>>, %arg8: memref<1x1x8192xf32, #tpu.memory_space<vmem>>, %arg9: memref<1x1x1xf32, #tpu.memory_space<vmem>>, %arg10: memref<1x1x1xf32, #tpu.memory_space<vmem>>) attributes {dimension_semantics = [#tpu.dimension_semantics<arbitrary>], iteration_bounds = array<i64: 128>, scalar_prefetch = 0 : i64, scratch_operands = 0 : i64, tpu.core_type = #tpu.core_type<tc>, window_params = [{transform_indices = @transform_0, window_bounds = array<i64: 8192, 4>}, {pipeline_mode = #tpu.pipeline_mode<synchronous>, transform_indices = @transform_1, window_bounds = array<i64: 4, 32>}, {pipeline_mode = #tpu.pipeline_mode<synchronous>, transform_indices = @transform_2, window_bounds = array<i64: 1, 32>}, {pipeline_mode = #tpu.pipeline_mode<synchronous>, transform_indices = @transform_3, window_bounds = array<i64: 1, 32>}, {pipeline_mode = #tpu.pipeline_mode<synchronous>, transform_indices = @transform_4, window_bounds = array<i64: 1, 32>}, {pipeline_mode = #tpu.pipeline_mode<synchronous>, transform_indices = @transform_5, window_bounds = array<i64: 32, 1>}, {pipeline_mode = #tpu.pipeline_mode<synchronous>, transform_indices = @transform_6, window_bounds = array<i64: 1, 1>}, {transform_indices = @transform_7, window_bounds = array<i64: 1, 1, 8192>}, {transform_indices = @transform_8, window_bounds = array<i64: 1, 1, 1>}, {transform_indices = @transform_9, window_bounds = array<i64: 1, 1, 1>}]} {
    %get3A = arith.constant 0 : index
    %get3A_0 = arith.constant 0 : index
    %get3A_1 = vector.load %arg1[%get3A, %get3A_0] : memref<8192x4xf32, #tpu.memory_space<vmem>>, vector<8192x4xf32>
    %get3A_2 = arith.constant 0 : index
    %get3A_3 = arith.constant 0 : index
    %get3A_4 = vector.load %arg2[%get3A_2, %get3A_3] : memref<4x32xf32, #tpu.memory_space<vmem>>, vector<4x32xf32>
    %dot_general3A = arith.constant dense<0.000000e+00> : vector<8192x32xf32>
    %dot_general3A_5 = tpu.matmul %get3A_1, %get3A_4, %dot_general3A {dimension_numbers = #tpu.dot_dimension_numbers<[1], [0], [0], [1], [0, 0, 1, 1], [], []>, transpose_lhs_hint = false} : vector<8192x4xf32>, vector<4x32xf32>, vector<8192x32xf32> -> vector<8192x32xf32>
    %get3A_6 = arith.constant 0 : index
    %get3A_7 = arith.constant 0 : index
    %get3A_8 = vector.load %arg3[%get3A_6, %get3A_7] : memref<1x32xf32, #tpu.memory_space<vmem>>, vector<1x32xf32>
    %add3A = vector.broadcast %get3A_8 : vector<1x32xf32> to vector<8192x32xf32>
    %add3A_9 = arith.addf %dot_general3A_5, %add3A : vector<8192x32xf32>
    %sqrt3A = arith.constant 1.000010e+00 : f32
    %sqrt3A_10 = math.sqrt %sqrt3A : f32
    %div3A = vector.broadcast %sqrt3A_10 : f32 to vector<8192x32xf32>
    %div3A_11 = arith.divf %add3A_9, %div3A : vector<8192x32xf32>
    %get3A_12 = arith.constant 0 : index
    %get3A_13 = arith.constant 0 : index
    %get3A_14 = vector.load %arg4[%get3A_12, %get3A_13] : memref<1x32xf32, #tpu.memory_space<vmem>>, vector<1x32xf32>
    %mul3A = vector.broadcast %get3A_14 : vector<1x32xf32> to vector<8192x32xf32>
    %mul3A_15 = arith.mulf %div3A_11, %mul3A : vector<8192x32xf32>
    %get3A_16 = arith.constant 0 : index
    %get3A_17 = arith.constant 0 : index
    %get3A_18 = vector.load %arg5[%get3A_16, %get3A_17] : memref<1x32xf32, #tpu.memory_space<vmem>>, vector<1x32xf32>
    %add3A_19 = vector.broadcast %get3A_18 : vector<1x32xf32> to vector<8192x32xf32>
    %add3A_20 = arith.addf %mul3A_15, %add3A_19 : vector<8192x32xf32>
    %max3A = arith.constant 0.000000e+00 : f32
    %max3A_21 = vector.broadcast %max3A : f32 to vector<8192x32xf32>
    %max3A_22 = arith.maximumf %add3A_20, %max3A_21 : vector<8192x32xf32>
    %get3A_23 = arith.constant 0 : index
    %get3A_24 = arith.constant 0 : index
    %get3A_25 = vector.load %arg6[%get3A_23, %get3A_24] : memref<32x1xf32, #tpu.memory_space<vmem>>, vector<32x1xf32>
    %dot_general3A_26 = arith.constant dense<0.000000e+00> : vector<8192x1xf32>
    %dot_general3A_27 = tpu.matmul %max3A_22, %get3A_25, %dot_general3A_26 {dimension_numbers = #tpu.dot_dimension_numbers<[1], [0], [0], [1], [0, 0, 1, 1], [], []>, transpose_lhs_hint = false} : vector<8192x32xf32>, vector<32x1xf32>, vector<8192x1xf32> -> vector<8192x1xf32>
    %squeeze3A = vector.shape_cast %dot_general3A_27 : vector<8192x1xf32> to vector<8192xf32>
    %get3A_28 = arith.constant 0 : index
    %get3A_29 = arith.constant 0 : index
    %get3A_30 = vector.load %arg7[%get3A_28, %get3A_29] : memref<1x1xf32, #tpu.memory_space<vmem>>, vector<1x1xf32>
    %get3A_31 = vector.extract %get3A_30[0, 0] : f32 from vector<1x1xf32>
    %add3A_32 = vector.broadcast %get3A_31 : f32 to vector<8192xf32>
    %add3A_33 = arith.addf %squeeze3A, %add3A_32 : vector<8192xf32>
    %swap3A = arith.constant 0 : index
    %swap3A_34 = arith.constant 0 : index
    %swap3A_35 = arith.constant 0 : index
    %swap3A_36 = vector.load %arg8[%swap3A, %swap3A_34, %swap3A_35] : memref<1x1x8192xf32, #tpu.memory_space<vmem>>, vector<1x1x8192xf32>
    %swap3A_37 = vector.shape_cast %swap3A_36 : vector<1x1x8192xf32> to vector<8192xf32>
    %swap3A_38 = vector.shape_cast %add3A_33 : vector<8192xf32> to vector<1x1x8192xf32>
    tpu.vector_store %arg8[%swap3A, %swap3A_34, %swap3A_35], %swap3A_38 {strides = array<i32>} : memref<1x1x8192xf32, #tpu.memory_space<vmem>>, vector<1x1x8192xf32>,
    %reduce_max3A = vector.shape_cast %add3A_33 : vector<8192xf32> to vector<1x8192xf32>
    %reduce_max3A_39 = arith.constant dense<0xFF800000> : vector<1xf32>
    %reduce_max3A_40 = vector.multi_reduction <maximumf>, %reduce_max3A, %reduce_max3A_39 [1] : vector<1x8192xf32> to vector<1xf32>
    %reduce_max3A_41 = vector.shape_cast %reduce_max3A_40 : vector<1xf32> to vector<1x1xf32>
    %reduce_max3A_42 = vector.extract %reduce_max3A_41[0, 0] : f32 from vector<1x1xf32>
    %reshape3A = vector.broadcast %reduce_max3A_42 : f32 to vector<1x1x1xf32>
    %swap3A_43 = arith.constant 0 : index
    %swap3A_44 = arith.constant 0 : index
    %swap3A_45 = arith.constant 0 : index
    %swap3A_46 = vector.load %arg9[%swap3A_43, %swap3A_44, %swap3A_45] : memref<1x1x1xf32, #tpu.memory_space<vmem>>, vector<1x1x1xf32>
    tpu.vector_store %arg9[%swap3A_43, %swap3A_44, %swap3A_45], %reshape3A {strides = array<i32>} : memref<1x1x1xf32, #tpu.memory_space<vmem>>, vector<1x1x1xf32>,
    %sub3A = vector.broadcast %reduce_max3A_42 : f32 to vector<8192xf32>
    %sub3A_47 = arith.subf %add3A_33, %sub3A : vector<8192xf32>
    %mul3A_48 = arith.constant 5.000000e-01 : f32
    %mul3A_49 = vector.broadcast %mul3A_48 : f32 to vector<8192xf32>
    %mul3A_50 = arith.mulf %sub3A_47, %mul3A_49 : vector<8192xf32>
    %exp3A = math.exp %mul3A_50 : vector<8192xf32>
    %reduce_sum3A = vector.shape_cast %exp3A : vector<8192xf32> to vector<1x8192xf32>
    %reduce_sum3A_51 = arith.constant dense<0.000000e+00> : vector<1xf32>
    %reduce_sum3A_52 = vector.multi_reduction <add>, %reduce_sum3A, %reduce_sum3A_51 [1] : vector<1x8192xf32> to vector<1xf32>
    %reduce_sum3A_53 = vector.shape_cast %reduce_sum3A_52 : vector<1xf32> to vector<1x1xf32>
    %reduce_sum3A_54 = vector.extract %reduce_sum3A_53[0, 0] : f32 from vector<1x1xf32>
    %reshape3A_55 = vector.broadcast %reduce_sum3A_54 : f32 to vector<1x1x1xf32>
    %swap3A_56 = arith.constant 0 : index
    %swap3A_57 = arith.constant 0 : index
    %swap3A_58 = arith.constant 0 : index
    %swap3A_59 = vector.load %arg10[%swap3A_56, %swap3A_57, %swap3A_58] : memref<1x1x1xf32, #tpu.memory_space<vmem>>, vector<1x1x1xf32>
    tpu.vector_store %arg10[%swap3A_56, %swap3A_57, %swap3A_58], %reshape3A_55 {strides = array<i32>} : memref<1x1x1xf32, #tpu.memory_space<vmem>>, vector<1x1x1xf32>,
    return
  }
  func.func @transform_0(%arg0: i32) -> (i32, i32) {
    %c0_i32 = arith.constant 0 : i32
    %c0_i32_0 = arith.constant 0 : i32
    return %arg0, %c0_i32 : i32, i32
  }
  func.func @transform_1(%arg0: i32) -> (i32, i32) {
    %c0_i32 = arith.constant 0 : i32
    %c0_i32_0 = arith.constant 0 : i32
    %c0_i32_1 = arith.constant 0 : i32
    return %c0_i32, %c0_i32_0 : i32, i32
  }
  func.func @transform_2(%arg0: i32) -> (i32, i32) {
    %c0_i32 = arith.constant 0 : i32
    %c0_i32_0 = arith.constant 0 : i32
    %c0_i32_1 = arith.constant 0 : i32
    return %c0_i32, %c0_i32_0 : i32, i32
  }
  func.func @transform_3(%arg0: i32) -> (i32, i32) {
    %c0_i32 = arith.constant 0 : i32
    %c0_i32_0 = arith.constant 0 : i32
    %c0_i32_1 = arith.constant 0 : i32
    return %c0_i32, %c0_i32_0 : i32, i32
  }
  func.func @transform_4(%arg0: i32) -> (i32, i32) {
    %c0_i32 = arith.constant 0 : i32
    %c0_i32_0 = arith.constant 0 : i32
    %c0_i32_1 = arith.constant 0 : i32
    return %c0_i32, %c0_i32_0 : i32, i32
  }
  func.func @transform_5(%arg0: i32) -> (i32, i32) {
    %c0_i32 = arith.constant 0 : i32
    %c0_i32_0 = arith.constant 0 : i32
    %c0_i32_1 = arith.constant 0 : i32
    return %c0_i32, %c0_i32_0 : i32, i32
  }
  func.func @transform_6(%arg0: i32) -> (i32, i32) {
    %c0_i32 = arith.constant 0 : i32
    %c0_i32_0 = arith.constant 0 : i32
    %c0_i32_1 = arith.constant 0 : i32
    return %c0_i32, %c0_i32_0 : i32, i32
  }
  func.func @transform_7(%arg0: i32) -> (i32, i32, i32) {
    %c0_i32 = arith.constant 0 : i32
    %c0_i32_0 = arith.constant 0 : i32
    %c0_i32_1 = arith.constant 0 : i32
    return %arg0, %c0_i32, %c0_i32_0 : i32, i32, i32
  }
  func.func @transform_8(%arg0: i32) -> (i32, i32, i32) {
    %c0_i32 = arith.constant 0 : i32
    %c0_i32_0 = arith.constant 0 : i32
    %c0_i32_1 = arith.constant 0 : i32
    return %arg0, %c0_i32, %c0_i32_0 : i32, i32, i32
  }
  func.func @transform_9(%arg0: i32) -> (i32, i32, i32) {
    %c0_i32 = arith.constant 0 : i32
    %c0_i32_0 = arith.constant 0 : i32
    %c0_i32_1 = arith.constant 0 : i32
    return %arg0, %c0_i32, %c0_i32_0 : i32, i32, i32
  }
}

module attributes {stable_mosaic.version = 14 : i64} {
  func.func @_fusion_body(%arg0: i32, %arg1: memref<4096x4xf32, #tpu.memory_space<vmem>>, %arg2: memref<1x1x4096xf32, #tpu.memory_space<vmem>>, %arg3: memref<4x64xf32, #tpu.memory_space<vmem>>, %arg4: memref<1x64xf32, #tpu.memory_space<vmem>>, %arg5: memref<1x64xf32, #tpu.memory_space<vmem>>, %arg6: memref<1x64xf32, #tpu.memory_space<vmem>>, %arg7: memref<64x32xf32, #tpu.memory_space<vmem>>, %arg8: memref<1x32xf32, #tpu.memory_space<vmem>>, %arg9: memref<1x32xf32, #tpu.memory_space<vmem>>, %arg10: memref<1x32xf32, #tpu.memory_space<vmem>>, %arg11: memref<32x4xf32, #tpu.memory_space<vmem>>, %arg12: memref<1x4xf32, #tpu.memory_space<vmem>>, %arg13: memref<4096x4xf32, #tpu.memory_space<vmem>>) attributes {dimension_semantics = [#tpu.dimension_semantics<arbitrary>], iteration_bounds = array<i64: 8>, scalar_prefetch = 0 : i64, scratch_operands = 0 : i64, tpu.core_type = #tpu.core_type<tc>, window_params = [{transform_indices = @transform_0, window_bounds = array<i64: 4096, 4>}, {transform_indices = @transform_1, window_bounds = array<i64: 1, 1, 4096>}, {pipeline_mode = #tpu.pipeline_mode<synchronous>, transform_indices = @transform_2, window_bounds = array<i64: 4, 64>}, {pipeline_mode = #tpu.pipeline_mode<synchronous>, transform_indices = @transform_3, window_bounds = array<i64: 1, 64>}, {pipeline_mode = #tpu.pipeline_mode<synchronous>, transform_indices = @transform_4, window_bounds = array<i64: 1, 64>}, {pipeline_mode = #tpu.pipeline_mode<synchronous>, transform_indices = @transform_5, window_bounds = array<i64: 1, 64>}, {pipeline_mode = #tpu.pipeline_mode<synchronous>, transform_indices = @transform_6, window_bounds = array<i64: 64, 32>}, {pipeline_mode = #tpu.pipeline_mode<synchronous>, transform_indices = @transform_7, window_bounds = array<i64: 1, 32>}, {pipeline_mode = #tpu.pipeline_mode<synchronous>, transform_indices = @transform_8, window_bounds = array<i64: 1, 32>}, {pipeline_mode = #tpu.pipeline_mode<synchronous>, transform_indices = @transform_9, window_bounds = array<i64: 1, 32>}, {pipeline_mode = #tpu.pipeline_mode<synchronous>, transform_indices = @transform_10, window_bounds = array<i64: 32, 4>}, {pipeline_mode = #tpu.pipeline_mode<synchronous>, transform_indices = @transform_11, window_bounds = array<i64: 1, 4>}, {transform_indices = @transform_12, window_bounds = array<i64: 4096, 4>}]} {
    %get3A = arith.constant 0 : index
    %get3A_0 = arith.constant 0 : index
    %get3A_1 = arith.constant 0 : index
    %get3A_2 = vector.load %arg2[%get3A, %get3A_0, %get3A_1] : memref<1x1x4096xf32, #tpu.memory_space<vmem>>, vector<1x1x4096xf32>
    %get3A_3 = vector.shape_cast %get3A_2 : vector<1x1x4096xf32> to vector<4096xf32>
    %reduce_sum3A = vector.shape_cast %get3A_3 : vector<4096xf32> to vector<1x4096xf32>
    %reduce_sum3A_4 = arith.constant dense<0.000000e+00> : vector<1xf32>
    %reduce_sum3A_5 = vector.multi_reduction <add>, %reduce_sum3A, %reduce_sum3A_4 [1] : vector<1x4096xf32> to vector<1xf32>
    %reduce_sum3A_6 = vector.shape_cast %reduce_sum3A_5 : vector<1xf32> to vector<1x1xf32>
    %reduce_sum3A_7 = vector.extract %reduce_sum3A_6[0, 0] : f32 from vector<1x1xf32>
    %add3A = arith.constant 9.99999993E-9 : f32
    %add3A_8 = arith.addf %reduce_sum3A_7, %add3A : f32
    %get3A_9 = arith.constant 0 : index
    %get3A_10 = arith.constant 0 : index
    %get3A_11 = vector.load %arg1[%get3A_9, %get3A_10] : memref<4096x4xf32, #tpu.memory_space<vmem>>, vector<4096x4xf32>
    %div3A = vector.broadcast %add3A_8 : f32 to vector<4096xf32>
    %div3A_12 = arith.divf %get3A_3, %div3A : vector<4096xf32>
    %broadcast_in_dim3A = vector.shape_cast %div3A_12 : vector<4096xf32> to vector<4096x1xf32>
    %mul3A = vector.broadcast %broadcast_in_dim3A : vector<4096x1xf32> to vector<4096x4xf32>
    %mul3A_13 = arith.mulf %get3A_11, %mul3A : vector<4096x4xf32>
    %get3A_14 = arith.constant 0 : index
    %get3A_15 = arith.constant 0 : index
    %get3A_16 = vector.load %arg3[%get3A_14, %get3A_15] : memref<4x64xf32, #tpu.memory_space<vmem>>, vector<4x64xf32>
    %dot_general3A = arith.constant dense<0.000000e+00> : vector<4096x64xf32>
    %dot_general3A_17 = tpu.matmul %mul3A_13, %get3A_16, %dot_general3A {dimension_numbers = #tpu.dot_dimension_numbers<[1], [0], [0], [1], [0, 0, 1, 1], [], []>, transpose_lhs_hint = false} : vector<4096x4xf32>, vector<4x64xf32>, vector<4096x64xf32> -> vector<4096x64xf32>
    %get3A_18 = arith.constant 0 : index
    %get3A_19 = arith.constant 0 : index
    %get3A_20 = vector.load %arg4[%get3A_18, %get3A_19] : memref<1x64xf32, #tpu.memory_space<vmem>>, vector<1x64xf32>
    %add3A_21 = vector.broadcast %get3A_20 : vector<1x64xf32> to vector<4096x64xf32>
    %add3A_22 = arith.addf %dot_general3A_17, %add3A_21 : vector<4096x64xf32>
    %reduce_sum3A_23 = arith.constant dense<0.000000e+00> : vector<4096xf32>
    %reduce_sum3A_24 = vector.multi_reduction <add>, %add3A_22, %reduce_sum3A_23 [1] : vector<4096x64xf32> to vector<4096xf32>
    %broadcast_in_dim3A_25 = vector.shape_cast %reduce_sum3A_24 : vector<4096xf32> to vector<4096x1xf32>
    %div3A_26 = arith.constant 6.400000e+01 : f32
    %div3A_27 = vector.broadcast %div3A_26 : f32 to vector<4096x1xf32>
    %div3A_28 = arith.divf %broadcast_in_dim3A_25, %div3A_27 : vector<4096x1xf32>
    %sub3A = vector.broadcast %div3A_28 : vector<4096x1xf32> to vector<4096x64xf32>
    %sub3A_29 = arith.subf %add3A_22, %sub3A : vector<4096x64xf32>
    %integer_pow3A = arith.mulf %sub3A_29, %sub3A_29 : vector<4096x64xf32>
    %reduce_sum3A_30 = arith.constant dense<0.000000e+00> : vector<4096xf32>
    %reduce_sum3A_31 = vector.multi_reduction <add>, %integer_pow3A, %reduce_sum3A_30 [1] : vector<4096x64xf32> to vector<4096xf32>
    %broadcast_in_dim3A_32 = vector.shape_cast %reduce_sum3A_31 : vector<4096xf32> to vector<4096x1xf32>
    %div3A_33 = arith.constant 6.400000e+01 : f32
    %div3A_34 = vector.broadcast %div3A_33 : f32 to vector<4096x1xf32>
    %div3A_35 = arith.divf %broadcast_in_dim3A_32, %div3A_34 : vector<4096x1xf32>
    %sub3A_36 = vector.broadcast %div3A_28 : vector<4096x1xf32> to vector<4096x64xf32>
    %sub3A_37 = arith.subf %add3A_22, %sub3A_36 : vector<4096x64xf32>
    %add3A_38 = arith.constant 9.99999974E-6 : f32
    %add3A_39 = vector.broadcast %add3A_38 : f32 to vector<4096x1xf32>
    %add3A_40 = arith.addf %div3A_35, %add3A_39 : vector<4096x1xf32>
    %sqrt3A = math.sqrt %add3A_40 : vector<4096x1xf32>
    %div3A_41 = vector.broadcast %sqrt3A : vector<4096x1xf32> to vector<4096x64xf32>
    %div3A_42 = arith.divf %sub3A_37, %div3A_41 : vector<4096x64xf32>
    %get3A_43 = arith.constant 0 : index
    %get3A_44 = arith.constant 0 : index
    %get3A_45 = vector.load %arg5[%get3A_43, %get3A_44] : memref<1x64xf32, #tpu.memory_space<vmem>>, vector<1x64xf32>
    %mul3A_46 = vector.broadcast %get3A_45 : vector<1x64xf32> to vector<4096x64xf32>
    %mul3A_47 = arith.mulf %div3A_42, %mul3A_46 : vector<4096x64xf32>
    %get3A_48 = arith.constant 0 : index
    %get3A_49 = arith.constant 0 : index
    %get3A_50 = vector.load %arg6[%get3A_48, %get3A_49] : memref<1x64xf32, #tpu.memory_space<vmem>>, vector<1x64xf32>
    %add3A_51 = vector.broadcast %get3A_50 : vector<1x64xf32> to vector<4096x64xf32>
    %add3A_52 = arith.addf %mul3A_47, %add3A_51 : vector<4096x64xf32>
    %max3A = arith.constant 0.000000e+00 : f32
    %max3A_53 = vector.broadcast %max3A : f32 to vector<4096x64xf32>
    %max3A_54 = arith.maximumf %add3A_52, %max3A_53 : vector<4096x64xf32>
    %get3A_55 = arith.constant 0 : index
    %get3A_56 = arith.constant 0 : index
    %get3A_57 = vector.load %arg7[%get3A_55, %get3A_56] : memref<64x32xf32, #tpu.memory_space<vmem>>, vector<64x32xf32>
    %dot_general3A_58 = arith.constant dense<0.000000e+00> : vector<4096x32xf32>
    %dot_general3A_59 = tpu.matmul %max3A_54, %get3A_57, %dot_general3A_58 {dimension_numbers = #tpu.dot_dimension_numbers<[1], [0], [0], [1], [0, 0, 1, 1], [], []>, transpose_lhs_hint = false} : vector<4096x64xf32>, vector<64x32xf32>, vector<4096x32xf32> -> vector<4096x32xf32>
    %get3A_60 = arith.constant 0 : index
    %get3A_61 = arith.constant 0 : index
    %get3A_62 = vector.load %arg8[%get3A_60, %get3A_61] : memref<1x32xf32, #tpu.memory_space<vmem>>, vector<1x32xf32>
    %add3A_63 = vector.broadcast %get3A_62 : vector<1x32xf32> to vector<4096x32xf32>
    %add3A_64 = arith.addf %dot_general3A_59, %add3A_63 : vector<4096x32xf32>
    %reduce_sum3A_65 = arith.constant dense<0.000000e+00> : vector<4096xf32>
    %reduce_sum3A_66 = vector.multi_reduction <add>, %add3A_64, %reduce_sum3A_65 [1] : vector<4096x32xf32> to vector<4096xf32>
    %broadcast_in_dim3A_67 = vector.shape_cast %reduce_sum3A_66 : vector<4096xf32> to vector<4096x1xf32>
    %div3A_68 = arith.constant 3.200000e+01 : f32
    %div3A_69 = vector.broadcast %div3A_68 : f32 to vector<4096x1xf32>
    %div3A_70 = arith.divf %broadcast_in_dim3A_67, %div3A_69 : vector<4096x1xf32>
    %sub3A_71 = vector.broadcast %div3A_70 : vector<4096x1xf32> to vector<4096x32xf32>
    %sub3A_72 = arith.subf %add3A_64, %sub3A_71 : vector<4096x32xf32>
    %integer_pow3A_73 = arith.mulf %sub3A_72, %sub3A_72 : vector<4096x32xf32>
    %reduce_sum3A_74 = arith.constant dense<0.000000e+00> : vector<4096xf32>
    %reduce_sum3A_75 = vector.multi_reduction <add>, %integer_pow3A_73, %reduce_sum3A_74 [1] : vector<4096x32xf32> to vector<4096xf32>
    %broadcast_in_dim3A_76 = vector.shape_cast %reduce_sum3A_75 : vector<4096xf32> to vector<4096x1xf32>
    %div3A_77 = arith.constant 3.200000e+01 : f32
    %div3A_78 = vector.broadcast %div3A_77 : f32 to vector<4096x1xf32>
    %div3A_79 = arith.divf %broadcast_in_dim3A_76, %div3A_78 : vector<4096x1xf32>
    %sub3A_80 = vector.broadcast %div3A_70 : vector<4096x1xf32> to vector<4096x32xf32>
    %sub3A_81 = arith.subf %add3A_64, %sub3A_80 : vector<4096x32xf32>
    %add3A_82 = arith.constant 9.99999974E-6 : f32
    %add3A_83 = vector.broadcast %add3A_82 : f32 to vector<4096x1xf32>
    %add3A_84 = arith.addf %div3A_79, %add3A_83 : vector<4096x1xf32>
    %sqrt3A_85 = math.sqrt %add3A_84 : vector<4096x1xf32>
    %div3A_86 = vector.broadcast %sqrt3A_85 : vector<4096x1xf32> to vector<4096x32xf32>
    %div3A_87 = arith.divf %sub3A_81, %div3A_86 : vector<4096x32xf32>
    %get3A_88 = arith.constant 0 : index
    %get3A_89 = arith.constant 0 : index
    %get3A_90 = vector.load %arg9[%get3A_88, %get3A_89] : memref<1x32xf32, #tpu.memory_space<vmem>>, vector<1x32xf32>
    %mul3A_91 = vector.broadcast %get3A_90 : vector<1x32xf32> to vector<4096x32xf32>
    %mul3A_92 = arith.mulf %div3A_87, %mul3A_91 : vector<4096x32xf32>
    %get3A_93 = arith.constant 0 : index
    %get3A_94 = arith.constant 0 : index
    %get3A_95 = vector.load %arg10[%get3A_93, %get3A_94] : memref<1x32xf32, #tpu.memory_space<vmem>>, vector<1x32xf32>
    %add3A_96 = vector.broadcast %get3A_95 : vector<1x32xf32> to vector<4096x32xf32>
    %add3A_97 = arith.addf %mul3A_92, %add3A_96 : vector<4096x32xf32>
    %max3A_98 = arith.constant 0.000000e+00 : f32
    %max3A_99 = vector.broadcast %max3A_98 : f32 to vector<4096x32xf32>
    %max3A_100 = arith.maximumf %add3A_97, %max3A_99 : vector<4096x32xf32>
    %get3A_101 = arith.constant 0 : index
    %get3A_102 = arith.constant 0 : index
    %get3A_103 = vector.load %arg11[%get3A_101, %get3A_102] : memref<32x4xf32, #tpu.memory_space<vmem>>, vector<32x4xf32>
    %dot_general3A_104 = arith.constant dense<0.000000e+00> : vector<4096x4xf32>
    %dot_general3A_105 = tpu.matmul %max3A_100, %get3A_103, %dot_general3A_104 {dimension_numbers = #tpu.dot_dimension_numbers<[1], [0], [0], [1], [0, 0, 1, 1], [], []>, transpose_lhs_hint = false} : vector<4096x32xf32>, vector<32x4xf32>, vector<4096x4xf32> -> vector<4096x4xf32>
    %get3A_106 = arith.constant 0 : index
    %get3A_107 = arith.constant 0 : index
    %get3A_108 = vector.load %arg12[%get3A_106, %get3A_107] : memref<1x4xf32, #tpu.memory_space<vmem>>, vector<1x4xf32>
    %add3A_109 = vector.broadcast %get3A_108 : vector<1x4xf32> to vector<4096x4xf32>
    %add3A_110 = arith.addf %dot_general3A_105, %add3A_109 : vector<4096x4xf32>
    %swap3A = arith.constant 0 : index
    %swap3A_111 = arith.constant 0 : index
    %swap3A_112 = vector.load %arg13[%swap3A, %swap3A_111] : memref<4096x4xf32, #tpu.memory_space<vmem>>, vector<4096x4xf32>
    tpu.vector_store %arg13[%swap3A, %swap3A_111], %add3A_110 {strides = array<i32>} : memref<4096x4xf32, #tpu.memory_space<vmem>>, vector<4096x4xf32>,
    return
  }
  func.func @transform_0(%arg0: i32) -> (i32, i32) {
    %c0_i32 = arith.constant 0 : i32
    %c0_i32_0 = arith.constant 0 : i32
    return %arg0, %c0_i32 : i32, i32
  }
  func.func @transform_1(%arg0: i32) -> (i32, i32, i32) {
    %c0_i32 = arith.constant 0 : i32
    %c0_i32_0 = arith.constant 0 : i32
    %c0_i32_1 = arith.constant 0 : i32
    return %arg0, %c0_i32, %c0_i32_0 : i32, i32, i32
  }
  func.func @transform_2(%arg0: i32) -> (i32, i32) {
    %c0_i32 = arith.constant 0 : i32
    %c0_i32_0 = arith.constant 0 : i32
    %c0_i32_1 = arith.constant 0 : i32
    return %c0_i32, %c0_i32_0 : i32, i32
  }
  func.func @transform_3(%arg0: i32) -> (i32, i32) {
    %c0_i32 = arith.constant 0 : i32
    %c0_i32_0 = arith.constant 0 : i32
    %c0_i32_1 = arith.constant 0 : i32
    return %c0_i32, %c0_i32_0 : i32, i32
  }
  func.func @transform_4(%arg0: i32) -> (i32, i32) {
    %c0_i32 = arith.constant 0 : i32
    %c0_i32_0 = arith.constant 0 : i32
    %c0_i32_1 = arith.constant 0 : i32
    return %c0_i32, %c0_i32_0 : i32, i32
  }
  func.func @transform_5(%arg0: i32) -> (i32, i32) {
    %c0_i32 = arith.constant 0 : i32
    %c0_i32_0 = arith.constant 0 : i32
    %c0_i32_1 = arith.constant 0 : i32
    return %c0_i32, %c0_i32_0 : i32, i32
  }
  func.func @transform_6(%arg0: i32) -> (i32, i32) {
    %c0_i32 = arith.constant 0 : i32
    %c0_i32_0 = arith.constant 0 : i32
    %c0_i32_1 = arith.constant 0 : i32
    return %c0_i32, %c0_i32_0 : i32, i32
  }
  func.func @transform_7(%arg0: i32) -> (i32, i32) {
    %c0_i32 = arith.constant 0 : i32
    %c0_i32_0 = arith.constant 0 : i32
    %c0_i32_1 = arith.constant 0 : i32
    return %c0_i32, %c0_i32_0 : i32, i32
  }
  func.func @transform_8(%arg0: i32) -> (i32, i32) {
    %c0_i32 = arith.constant 0 : i32
    %c0_i32_0 = arith.constant 0 : i32
    %c0_i32_1 = arith.constant 0 : i32
    return %c0_i32, %c0_i32_0 : i32, i32
  }
  func.func @transform_9(%arg0: i32) -> (i32, i32) {
    %c0_i32 = arith.constant 0 : i32
    %c0_i32_0 = arith.constant 0 : i32
    %c0_i32_1 = arith.constant 0 : i32
    return %c0_i32, %c0_i32_0 : i32, i32
  }
  func.func @transform_10(%arg0: i32) -> (i32, i32) {
    %c0_i32 = arith.constant 0 : i32
    %c0_i32_0 = arith.constant 0 : i32
    %c0_i32_1 = arith.constant 0 : i32
    return %c0_i32, %c0_i32_0 : i32, i32
  }
  func.func @transform_11(%arg0: i32) -> (i32, i32) {
    %c0_i32 = arith.constant 0 : i32
    %c0_i32_0 = arith.constant 0 : i32
    %c0_i32_1 = arith.constant 0 : i32
    return %c0_i32, %c0_i32_0 : i32, i32
  }
  func.func @transform_12(%arg0: i32) -> (i32, i32) {
    %c0_i32 = arith.constant 0 : i32
    %c0_i32_0 = arith.constant 0 : i32
    return %arg0, %c0_i32 : i32, i32
  }
}

</mosaic_0001>

<sc_bundles>
// kernel: gather_offload_async_start
scs
__scs_entry_jumppad:
0x0: {  	(pc) =	sbr.rel $0x88, $3  }
0x1: {  	(tag) =	ssettag $0x0;
	lr =	simm.s32 $0x1  }
0x2: {  	[smem:$0x3F8E] =	sst lr;
	_ =	strace $0xD0000000  }
0x3: {  	_ = 	snop  }
0x4: {  	_ = 	snop  }
0x5: {  	_ = 	snop  }
0x6: {  	_ = 	snop  }
0x7: {  	_ = 	snop  }
__scs_overlays_trampoline_lowered:
0x8: {  	[smem:$0x3F9D] =	sst s0  }
0x9: {  	[smem:$0x3F9E] =	sst s1  }
0xa: {  	[smem:$0x3F9F] =	sst s2  }
0xb: {  	[smem:$0x3FA0] =	sst s3  }
0xc: {  	[smem:$0x3FA1] =	sst s4  }
0xd: {  	[smem:$0x3FA2] =	sst s5  }
0xe: {  	[smem:$0x3FA3] =	sst s6  }
0xf: {  	[smem:$0x3FA4] =	sst s7  }
0x10: {  	[smem:$0x3FA5] =	sst s8  }
0x11: {  	[smem:$0x3FA6] =	sst s9;
	s0 =	simm.s32 @!p0 $0x0  }
0x12: {  	s1 =	sld [smem:$0x3F8C];
	s0 =	simm.s32 @p0 $0x1  }
0x13: {  	[smem:$0x3FA7] =	sst s0;
	s0 =	simm.s32 @!p1 $0x0  }
0x14: {  	s2 =	sld [smem:$0x3F8B];
	s0 =	simm.s32 @p1 $0x1  }
0x15: {  	[smem:$0x3FA8] =	sst s0;
	s0 =	simm.s32 @!p2 $0x0  }
0x16: {  	s3 =	sld [smem:$0x3FDB];
	s0 =	simm.s32 @p2 $0x1  }
0x17: {  	s4 =	simm.s32 $0x1BF5;
	[smem:$0x3FAA] =	sst s0  }
0x18: {  	s0 =	sld [smem:$0x3F8D];
	_ =	swait.ge [sflag:s4], $0x0  }
0x19: {  	s7 =	sld [smem:$0x3F8E]  }
0x1a: {  	s8 =	sadd.s32 $0xFFFFE003, lr  }
0x1b: {  	s9 =	sadd.s32 $0xFFFFFEF7, lr;
	s5 =	simm.s32 $0xFFFFFFFF;
	p2 =	slt.u32 s8, $0xFFFFF086  }
0x1c: {  	p1 =	slt.u32 s9, $0xF7A;
	s5 =	simm.s32 @!p2 $0x0  }
0x1d: {  	s5 =	simm.s32 @p1 $0x1;
	p0 =	seq.s32 s7, s2  }
0x1e: {  	s7 =	smul.u32 @!p0 $0xF7A, s2;
	p2 =	seq.s32 @!p0 s5, $0x0  }
0x1f: {  	s9 =	smul.u32 $0xF7A, s1;
	s8 =	simm.s32 @!p0 $0x1BF5;
	p2 =	por !p2, p0  }
0x20: {  	[sflag:s8] =	ssyncset.s32 @!p0 $0xFFFFF086;
	s6 =	sadd.s32 @!p0 s3, s7;
	s7 =	simm.s32 @!p0 $0x108  }
0x21: {  	s3 =	sadd.s32 s3, s9;
	s6 =	sadd.s32 @!p0 $0x88, s6;
	s7 =	simm.s32 @p2 $0x1082  }
0x22: {  	[simem:s7], [sflag:s8] =	dma.local @!p0 [hbm:s6], $0xF7A  }
0x23: {  	s9 =	sor.u32 $0xD0000000, s2;
	s6 =	simm.s32 $0x108;
	_ =	swait.ge @!p0 [sflag:s8], $0x0  }
0x24: {  	s3 =	sadd.s32 $0x88, s3;
	s6 =	simm.s32 @!p1 $0x1082;
	[sflag:s4] =	ssyncset.s32 $0xFFFFF086  }
0x25: {  	[simem:s6], [sflag:s4] =	dma.local [hbm:s3], $0xF7A  }
0x26: {  	[smem:$0x3F8E] =	sst s1;
	(tag) =	ssettag s2;
	_ =	strace s9  }
0x27: {  	s1 =	sld [smem:$0x3F9E]  }
0x28: {  	s2 =	sld [smem:$0x3F9F]  }
0x29: {  	s4 =	sld [smem:$0x3FA1]  }
0x2a: {  	p0 =	seq.s32 s5, $0x0;
	s5 =	sld [smem:$0x3FA2]  }
0x2b: {  	s6 =	sld [smem:$0x3FA3]  }
0x2c: {  	s7 =	sld [smem:$0x3FA4]  }
0x2d: {  	s3 =	simm.s32 $0x108;
	s8 =	sld [smem:$0x3FA5]  }
0x2e: {  	s3 =	simm.s32 @!p0 $0x1082;
	s9 =	sld [smem:$0x3FA6]  }
0x2f: {  	lr =	sadd.s32 s0, s3;
	s0 =	sld [smem:$0x3F9D]  }
0x30: {  	s3 =	sld [smem:$0x3FA0]  }
0x31: {  	[smem:$0x3FA9] =	sst s10  }
0x32: {  	s10 =	sld [smem:$0x3FA7];
	_ =	sdelay $0x3  }
0x33: {  	p0 =	seq.s32 s10, $0x1;
	s10 =	sld [smem:$0x3FA9];
	_ =	sdelay $0x3  }
0x34: {  	[smem:$0x3FA9] =	sst s10  }
0x35: {  	s10 =	sld [smem:$0x3FA8];
	_ =	sdelay $0x3  }
0x36: {  	p1 =	seq.s32 s10, $0x1;
	s10 =	sld [smem:$0x3FA9];
	_ =	sdelay $0x3  }
0x37: {  	[smem:$0x3FA9] =	sst s10  }
0x38: {  	s10 =	sld [smem:$0x3FAA]  }
0x39: {  	_ = 	snop;
	(pc) =	sbr.ind lr, $3  }
0x3a: {  	_ = 	snop  }
0x3b: {  	_ = 	snop  }
0x3c: {  	p2 =	seq.s32 s10, $0x1;
	s10 =	sld [smem:$0x3FA9]  }
0x3d: {  	_ =	shalt  }
0x3e: {  	_ =	shalt  }
0x3f: {  	_ =	shalt  }
0x40: {  	_ =	shalt  }
0x41: {  	_ =	shalt  }
0x42: {  	_ =	shalt  }
0x43: {  	_ =	shalt  }
0x44: {  	_ =	shalt  }
0x45: {  	_ =	shalt  }
0x46: {  	_ =	shalt  }
0x47: {  	_ =	shalt  }
0x48: {  	_ =	shalt  }
0x49: {  	_ =	shalt  }
0x4a: {  	_ =	shalt  }
0x4b: {  	_ =	shalt  }
0x4c: {  	_ =	shalt  }
0x4d: {  	_ =	shalt  }
0x4e: {  	_ =	shalt  }
0x4f: {  	_ =	shalt  }
0x50: {  	_ =	shalt  }
0x51: {  	_ =	shalt  }
0x52: {  	_ =	shalt  }
0x53: {  	_ =	shalt  }
0x54: {  	_ =	shalt  }
0x55: {  	_ =	shalt  }
0x56: {  	_ =	shalt  }
0x57: {  	_ =	shalt  }
0x58: {  	_ =	shalt  }
0x59: {  	_ =	shalt  }
0x5a: {  	_ =	shalt  }
0x5b: {  	_ =	shalt  }
0x5c: {  	_ =	shalt  }
0x5d: {  	_ =	shalt  }
0x5e: {  	_ =	shalt  }
0x5f: {  	_ =	shalt  }
0x60: {  	_ =	shalt  }
0x61: {  	_ =	shalt  }
0x62: {  	_ =	shalt  }
0x63: {  	_ =	shalt  }
0x64: {  	_ =	shalt  }
0x65: {  	_ =	shalt  }
0x66: {  	_ =	shalt  }
0x67: {  	_ =	shalt  }
0x68: {  	_ =	shalt  }
0x69: {  	_ =	shalt  }
0x6a: {  	_ =	shalt  }
0x6b: {  	_ =	shalt  }
0x6c: {  	_ =	shalt  }
0x6d: {  	_ =	shalt  }
0x6e: {  	_ =	shalt  }
0x6f: {  	_ =	shalt  }
0x70: {  	_ =	shalt  }
0x71: {  	_ =	shalt  }
0x72: {  	_ =	shalt  }
0x73: {  	_ =	shalt  }
0x74: {  	_ =	shalt  }
0x75: {  	_ =	shalt  }
0x76: {  	_ =	shalt  }
0x77: {  	_ =	shalt  }
0x78: {  	_ =	shalt  }
0x79: {  	_ =	shalt  }
0x7a: {  	_ =	shalt  }
0x7b: {  	_ =	shalt  }
0x7c: {  	_ =	shalt  }
0x7d: {  	_ =	shalt  }
0x7e: {  	_ =	shalt  }
0x7f: {  	_ =	shalt  }
0x80: {  	_ =	shalt  }
0x81: {  	_ =	shalt  }
0x82: {  	_ =	shalt  }
0x83: {  	_ =	shalt  }
0x84: {  	_ =	shalt  }
0x85: {  	_ =	shalt  }
0x86: {  	_ =	shalt  }
0x87: {  	_ =	shalt  }
.Lfunc_end0:
.L_simem_size_0:
called_computation_lowered:
.L_overlay_start_0:
0x88: {  	s2 =	sld [smem:$0x3FD9]  }
0x89: {  	s3 =	sld [smem:$0x3FFE];
	_ =	sdelay $0x1  }
0x8a: {  	s1 =	srdreg.scid  }
0x8b: {  	s0 =	sand.u32 $0x1, s1  }
0x8c: {  	s17 =	sshll.u32 s0, $0xA;
	s2 =	sadd.s32 s3, s2  }
0x8d: {  	s2 =	sadd.s32 s2, s17  }
0x8e: {  	[smem:$0x3FB5] =	sst s2  }
0x8f: {  	_ = 	snop  }
0x90: {  	s2 =	sld [smem:$0x3FD0];
	(tm) =	ssettm $0x1  }
0x91: {  	s18 =	sld [smem:$0x3FFB];
	_ =	sdelay $0x3  }
0x92: {  	_ =	strace s18  }
0x93: {  	s3 =	sld [smem:$0x3FFC];
	_ =	sdelay $0x3  }
0x94: {  	_ =	strace s3  }
0x95: {  	s3 =	sld [smem:$0x3FFD];
	_ =	sdelay $0x3  }
0x96: {  	_ =	strace s3  }
0x97: {  	_ =	strace $0x8FFFFFFF  }
0x98: {  	s19 =	sld [smem:$0x3FDB];
	_ =	sdelay $0x1  }
0x99: {  	s4 =	simm.s32 $_scs_section_size  }
0x9a: {  	s5 =	simm.s32 $_size__tile_overlayer_lowered;
	s6 =	simm.s32 $_tile_overlayer_lowered  }
0x9b: {  	s22 =	simm.s32 $0x1BFF;
	s21 =	sshll.u32 s6, $0x1;
	s3 =	sadd.s32 s4, s19  }
0x9c: {  	s7 =	simm.s32 $0x0;
	s20 =	sshll.u32 s5, $0x1;
	s5 =	sadd.s32 s21, s3  }
0x9d: {  	[timem:s7], [sflag:s22] =	dma.local [hbm:s5], s20  }
0x9e: {  	_ =	swait.ge [sflag:s22], s20  }
0x9f: {  	s4 =	ssub.s32 $0x0, s20;
	[sflag:s22] =	ssyncset.done $0x0  }
0xa0: {  	[sflag:s22] =	ssyncadd.s32 s4;
	_ =	sdelay $0x1  }
0xa1: {  	s23 =	simm.s32 $0x1B8B  }
0xa2: {  	_ =	swait.ge [sflag:s23], $0x1  }
0xa3: {  	[sflag:s23] =	ssyncset.done $0x0  }
0xa4: {  	s25 =	simm.s32 $0x1B8E;
	s24 =	sld [smem:$0x3FFE];
	[sflag:s23] =	ssyncadd.s32 $0xFFFFFFFF  }
0xa5: {  	s26 =	simm.s32 $execute0_lowered;
	[smem:$0x3FD2] =	sst s25  }
0xa6: {  	s5 =	sshll.u32 s26, $0x1;
	_ =	strace $0x80000046;
	[dreg:$0x1] =	wrdreg $0xFFFFFFFF  }
0xa7: {  	s28 =	simm.s32 $_size_execute0_lowered;
	s3 =	sadd.s32 s3, s5;
	[dreg:$0x0] =	wrdreg $0x0  }
0xa8: {  	s5 =	sshll.u32 s28, $0x1;
	[dreg:$0x2] =	wrdreg s3  }
0xa9: {  	[dreg:$0x3] =	wrdreg s5  }
0xaa: {  	[dreg:$0x4] =	wrdreg $0xC0  }
0xab: {  	_ =	task [dreg:s7], $0x5FFFF  }
0xac: {  	[dreg:$0x1] =	wrdreg $0xFFFFFFFF  }
0xad: {  	[dreg:$0x0] =	wrdreg $0x60  }
0xae: {  	[dreg:$0x2] =	wrdreg s24  }
0xaf: {  	[dreg:$0x3] =	wrdreg s2  }
0xb0: {  	[dreg:$0x4] =	wrdreg $0x9  }
0xb1: {  	_ =	task.clear_ibuf [dreg:s7], $0x5FFFF;
	_ =	strace $0x90000046  }
0xb2: {  	s29 =	simm.s32 $0x9;
	_ =	strace $0x80000048  }
0xb3: {  	_ =	swait.ge [sflag:s29], $0x1  }
0xb4: {  	[sflag:s29] =	ssyncadd.s32 $0xFFFFFFFF  }
0xb5: {  	_ =	strace $0x90000048  }
0xb6: {  	_ =	sfence  }
0xb7: {  	s30 =	sld [smem:$0x0];
	_ =	sdelay $0x2  }
0xb8: {  	s31 =	sshll.u32 s1, $0xD;
	s1 =	sshrl.u32 s1, $0x2  }
0xb9: {  	s3 =	sand.u32 $0x4000, s31;
	s1 =	sadd.s32 s1, s30  }
0xba: {  	s0 =	sor.u32 s3, s0;
	s1 =	sshll.u32 s1, $0x11  }
0xbb: {  	s0 =	sor.u32 s1, s0  }
0xbc: {  	s0 =	sadd.s32 $0x8F2B, s0  }
0xbd: {  	[sflag:s0] =	ssyncadd.remote.s32 $0x1  }
0xbe: {  	_ =	sfence.sel $0xFFFF  }
0xbf: {  	[dreg:$0x0] =	wrdreg $0xFFFFFFFF;
	(pc) =	sbr.abs _section_cstart, $3  }
0xc0: {  	[dreg:$0x1] =	wrdreg $0xFFFFFFFF  }
0xc1: {  	_ =	task.clear_ibuf [dreg:s7], $0x2FFFF;
	_ =	strace $0x9FFFFFFF  }
0xc2: {  	(tm) =	ssettm $0x7FFFFFFF  }
0xc3: {  	_ =	shalt  }
tec
execute0_lowered:
.L_overlay_start_1:
0x0: {  	(tag) =	ssettag $0x1  }
0x1: {  	s7 =	rddreg [dreg:$0x0]  }
0x2: {  	s0 =	srdreg.scid;
	s2 =	rddreg [dreg:$0x1]  }
0x3: {  	s1 =	stileid.u32;
	s6 =	simm.s32 $0x2;
	s11 =	simm.s32 $0x3  }
0x4: {  	s12 =	simm.s32 $0x0;
	s3 =	sshll.u32 s0, $0xA;
	s0 =	rddreg [dreg:$0x2]  }
0x5: {  	s4 =	sshll.u32 s1, $0xB;
	_ =	strace $0x80000047;
	s5 =	sand.u32 $0x400, s3  }
0x6: {  	s3 =	sadd.s32 $0x51A00, s7;
	s4 =	sor.u32 s4, s5;
	s5 =	simm.s32 $0x1  }
0x7: {  	s8 =	sshrl.u32 s4, $0x3;
	s9 =	ssub.s32 $0x8000, s4;
	[sflag:s5] =	ssyncpa.u1 $0x0  }
.Ltmp0:
0x8: {  	s10 =	sand.u32 $0x7C00, s9;
	[sflag:s6] =	ssyncpa.u1 $0x0;
	(pc) =	sbr.rel .LBB2_1-.Ltmp0, $4  }
0x9: {  	s9 =	sshrl.u32 s9, $0xF;
	p0 =	sne.s32 s10, $0x0;
	s10 =	simm.s32 $0x1  }
0xa: {  	s8 =	sadd.s32 s8, s7;
	[sflag:s11] =	ssyncpa.u1 $0x0;
	s10 =	simm.s32 @!p0 $0x0  }
0xb: {  	s8 =	sadd.s32 $0x29400, s8;
	s11 =	simm.s32 $0x0;
	s7 =	sadd.s32 s10, s9  }
0xc: {  	vm0 =	vmmov $0xffff;
	p0 =	por $0x0, $0x0;
	s10 =	simm.s32 $0x0;
	s9 =	sadd.s32 $0x1, s7  }
.LBB2_4:
0xd: {  	_ =	sdelay $0x3  }
0xe: {  	[tilespmem:s20], [sflag:$0x1] =	stream.indirect_vreg.gather [hbm4b:s3+s10], $0x1, v0, vm0, $0x4038;
	[tilespmem:$0x2800] =	vst v63  }
0xf: {  	s14 =	sadd.s32 s17, s14  }
0x10: {  	v0 =	vld.msk [tilespmem:s14+$0x0 ss:$0x1], $0xffff;
	_ =	sdelay $0x4  }
0x11: {  	vm1 =	vgt.s32 v0, $0x0  }
0x12: {  	v0 =	vnsel vm1, $0x0, v0  }
0x13: {  	v0 =	vmin.u32 v0, $0xFFFFF  }
0x14: {  	v1 =	vshll.u32 v0, $0x2  }
0x15: {  	v0 =	vand.u32 $0x7F, v0;
	v1 =	vand.u32 $0x3FFE00, v1  }
0x16: {  	v0 =	vor.u32 v0, v1;
	_ =	sdelay $0x1  }
0x17: {  	s28 =	sand.u32 $0xE00, s16  }
0x18: {  	s15 =	sand.u32 $0x70, s15;
	(ifvalue) =	ssetifvalue $0x7FFFFFFF;
	s14 =	sadd.s32 s28, s13;
	v1 =	vor.u32 $0x80, v0  }
0x19: {  	s14 =	sadd.s32 s15, s14;
	(ifvalue) =	ssetifvalue $0x7FFFFFFF  }
0x1a: {  	[tilespmem:s14], [sflag:$0x1] =	stream.indirect_vreg.gather [hbm4b:s3+s10], $0x1, v0, vm0, $0x4038;
	[tilespmem:$0x2800] =	vst v63  }
0x1b: {  	v2 =	vor.u32 $0x100, v0;
	(ifvalue) =	ssetifvalue $0x7FFFFFFF  }
0x1c: {  	s15 =	sadd.s32 $0x80, s14;
	(ifvalue) =	ssetifvalue $0x7FFFFFFF  }
0x1d: {  	[tilespmem:s15], [sflag:$0x1] =	stream.indirect_vreg.gather [hbm4b:s3+s10], $0x1, v1, vm0, $0x4038;
	[tilespmem:$0x2800] =	vst v63  }
0x1e: {  	v0 =	vor.u32 $0x180, v0;
	(ifvalue) =	ssetifvalue $0x7FFFFFFF  }
0x1f: {  	s29 =	sadd.s32 $0x100, s14;
	(ifvalue) =	ssetifvalue $0x7FFFFFFF  }
0x20: {  	[tilespmem:s29], [sflag:$0x1] =	stream.indirect_vreg.gather [hbm4b:s3+s10], $0x1, v2, vm0, $0x4038;
	[tilespmem:$0x2800] =	vst v63  }
0x21: {  	(ifvalue) =	ssetifvalue $0x7FFFFFFF  }
0x22: {  	s30 =	sshll.u32 s12, $0x2;
	s14 =	sadd.s32 $0x180, s14;
	(ifvalue) =	ssetifvalue $0x7FFFFFFF  }
0x23: {  	[tilespmem:s14], [sflag:$0x1] =	stream.indirect_vreg.gather [hbm4b:s3+s10], $0x1, v0, vm0, $0x4038;
	[tilespmem:$0x2800] =	vst v63  }
0x24: {  	s31 =	sand.u32 $0x78, s12;
	s14 =	sand.u32 $0x7FFFFE00, s30  }
0x25: {  	_ =	swait.ge [sflag:s5], $0x1000;
	s12 =	sor.u32 s31, s14  }
0x26: {  	[sflag:s5] =	ssyncset.done $0x0;
	s12 =	sshrl.u32 s12, $0x3  }
0x27: {  	[sflag:s5] =	ssyncadd.s32 $0xFFFFF000;
	s12 =	sadd.s32 s2, s12  }
0x28: {  	[hbm:s12] =	stream.linear.scatter [tilespmem:s13], [sflag:$0x3], $0x1000, $0x38;
	[tilespmem:$0x2800] =	vst v63  }
.LBB2_5:
0x29: {  	p2 =	sne.s32 s11, s9  }
.Ltmp1:
0x2a: {  	p1 =	slt.u32 s11, $0x2;
	(pc) =	sbr.rel @!p2 .LBB2_6-.Ltmp1, $4  }
0x2b: {  	s12 =	simm.s32 @!p1 $0x3  }
0x2c: {  	_ =	swait.ge @!p1 [sflag:s12], $0x1000  }
0x2d: {  	s13 =	sadd.s32 $0x1, s11;
	p0 =	por !p0, !p0;
	[sflag:s12] =	ssyncset.done @!p1 $0x0  }
0x2e: {  	s11 =	smov.u32 s13;
	[sflag:s12] =	ssyncadd.s32 @!p1 $0xFFFFF000;
	s12 =	smov.u32 s4  }
.LBB2_1:
0x2f: {  	p1 =	sge.u32 s11, s7  }
0x30: {  	s13 =	sxor.u32 @!p1 $0xFFFFFFFF, s11  }
0x31: {  	s13 =	sshll.u32 @!p1 s13, $0xA  }
0x32: {  	s31 =	sadd.s32 $0xFFFFFFFF, s11;
	s14 =	simm.s32 @!p1 $0x0;
	s13 =	sand.u32 @!p1 $0x400, s13  }
0x33: {  	[tilespmem:s13], [sflag:$0x2] =	stream.linear.gather @!p1 [hbm4b:s8+s14], $0x400, $0x38;
	[tilespmem:$0x2800] =	vst v63  }
0x34: {  	p1 =	sge.u32 s31, s7  }
.Ltmp2:
0x35: {  	_ = 	snop;
	(pc) =	sbr.rel @p1 .LBB2_5-.Ltmp2, $1  }
0x36: {  	_ =	sdelay $0x3  }
0x37: {  	s13 =	simm.s32 $0x1  }
0x38: {  	_ =	swait.ge [sflag:s6], $0x400;
	s13 =	simm.s32 @!p0 $0x0  }
0x39: {  	[sflag:s6] =	ssyncset.done $0x0;
	s14 =	sshll.u32 s13, $0xA  }
0x3a: {  	[sflag:s6] =	ssyncadd.s32 $0xFFFFFC00;
	s13 =	sadd.s32 $0x0, s14  }
0x3b: {  	v0 =	vld.msk [tilespmem:s13+$0x0 ss:$0x1], $0xffff;
	_ =	sdelay $0x4  }
0x3c: {  	vm1 =	vgt.s32 v0, $0x0  }
0x3d: {  	v0 =	vnsel vm1, $0x0, v0  }
0x3e: {  	v0 =	vmin.u32 v0, $0xFFFFF  }
0x3f: {  	v1 =	vshll.u32 v0, $0x2  }
0x40: {  	v0 =	vand.u32 $0x7F, v0;
	v1 =	vand.u32 $0x3FFE00, v1  }
0x41: {  	s31 =	sshll.u32 s11, $0xC;
	v0 =	vor.u32 v0, v1  }
0x42: {  	s15 =	simm.s32 $0x0;
	s13 =	sand.u32 $0x1000, s31  }
0x43: {  	s16 =	sand.u32 $0xE00, s15;
	s13 =	sor.u32 $0x800, s13  }
0x44: {  	s15 =	sand.u32 $0x70, s15;
	(ifvalue) =	ssetifvalue $0x7FFFFFFF;
	s16 =	sadd.s32 s16, s13;
	v1 =	vor.u32 $0x80, v0  }
0x45: {  	(ifvalue) =	ssetifvalue $0x7FFFFFFF;
	s20 =	sadd.s32 s15, s16  }
0x46: {  	[tilespmem:s20], [sflag:$0x1] =	stream.indirect_vreg.gather [hbm4b:s3+s10], $0x1, v0, vm0, $0x4038;
	[tilespmem:$0x2800] =	vst v63  }
0x47: {  	v2 =	vor.u32 $0x100, v0;
	(ifvalue) =	ssetifvalue $0x7FFFFFFF  }
0x48: {  	s15 =	sadd.s32 $0x80, s20;
	(ifvalue) =	ssetifvalue $0x7FFFFFFF  }
0x49: {  	[tilespmem:s15], [sflag:$0x1] =	stream.indirect_vreg.gather [hbm4b:s3+s10], $0x1, v1, vm0, $0x4038;
	[tilespmem:$0x2800] =	vst v63  }
0x4a: {  	s18 =	simm.s32 $0x20;
	v0 =	vor.u32 $0x180, v0;
	(ifvalue) =	ssetifvalue $0x7FFFFFFF  }
0x4b: {  	s19 =	simm.s32 $0x80;
	s17 =	sadd.s32 $0x100, s20;
	(ifvalue) =	ssetifvalue $0x7FFFFFFF  }
0x4c: {  	[tilespmem:s17], [sflag:$0x1] =	stream.indirect_vreg.gather [hbm4b:s3+s10], $0x1, v2, vm0, $0x4038;
	[tilespmem:$0x2800] =	vst v63  }
0x4d: {  	s16 =	simm.s32 $0x40;
	s20 =	sadd.s32 $0x180, s20;
	(ifvalue) =	ssetifvalue $0x7FFFFFFF  }
0x4e: {  	s15 =	simm.s32 $0x10;
	s17 =	simm.s32 $0x10;
	(ifvalue) =	ssetifvalue $0x7FFFFFFF  }
.LBB2_3:
0x4f: {  	[tilespmem:s20], [sflag:$0x1] =	stream.indirect_vreg.gather [hbm4b:s3+s10], $0x1, v0, vm0, $0x4038;
	[tilespmem:$0x2800] =	vst v63  }
0x50: {  	p1 =	sne.s32 s18, $0x3F0;
	s20 =	sadd.s32 s17, s14;
	s17 =	sshra.s32 s19, $0x2  }
0x51: {  	v0 =	vld.msk [tilespmem:s20+$0x0 ss:$0x1], $0xffff;
	s20 =	smov.u32 s18;
	s18 =	sadd.s32 $0x10, s18  }
0x52: {  	(ifvalue) =	ssetifvalue $0x7FFFFFFF;
	_ =	sdelay $0x4  }
0x53: {  	vm1 =	vgt.s32 v0, $0x0  }
0x54: {  	v0 =	vnsel vm1, $0x0, v0  }
0x55: {  	v0 =	vmin.u32 v0, $0xFFFFF  }
0x56: {  	v1 =	vshll.u32 v0, $0x2  }
0x57: {  	v0 =	vand.u32 $0x7F, v0;
	v1 =	vand.u32 $0x3FFE00, v1  }
0x58: {  	v0 =	vor.u32 v0, v1;
	_ =	sdelay $0x1  }
0x59: {  	s21 =	sand.u32 $0xE00, s16;
	s16 =	smov.u32 s19  }
0x5a: {  	s22 =	sand.u32 $0x70, s15;
	s21 =	sadd.s32 s21, s13;
	s15 =	smov.u32 s20;
	v1 =	vor.u32 $0x80, v0  }
0x5b: {  	s20 =	sadd.s32 s22, s21;
	(ifvalue) =	ssetifvalue $0x7FFFFFFF  }
0x5c: {  	[tilespmem:s20], [sflag:$0x1] =	stream.indirect_vreg.gather [hbm4b:s3+s10], $0x1, v0, vm0, $0x4038;
	[tilespmem:$0x2800] =	vst v63  }
0x5d: {  	v2 =	vor.u32 $0x100, v0;
	(ifvalue) =	ssetifvalue $0x7FFFFFFF  }
0x5e: {  	s21 =	sadd.s32 $0x80, s20;
	(ifvalue) =	ssetifvalue $0x7FFFFFFF  }
0x5f: {  	[tilespmem:s21], [sflag:$0x1] =	stream.indirect_vreg.gather [hbm4b:s3+s10], $0x1, v1, vm0, $0x4038;
	[tilespmem:$0x2800] =	vst v63  }
.Ltmp3:
0x60: {  	v0 =	vor.u32 $0x180, v0;
	(ifvalue) =	ssetifvalue $0x7FFFFFFF;
	(pc) =	sbr.rel @p1 .LBB2_3-.Ltmp3, $4  }
0x61: {  	s21 =	sadd.s32 $0x100, s20;
	(ifvalue) =	ssetifvalue $0x7FFFFFFF  }
0x62: {  	[tilespmem:s21], [sflag:$0x1] =	stream.indirect_vreg.gather [hbm4b:s3+s10], $0x1, v2, vm0, $0x4038;
	[tilespmem:$0x2800] =	vst v63  }
0x63: {  	(ifvalue) =	ssetifvalue $0x7FFFFFFF  }
0x64: {  	s19 =	sadd.s32 $0x40, s19;
	s20 =	sadd.s32 $0x180, s20;
	(ifvalue) =	ssetifvalue $0x7FFFFFFF  }
.Ltmp4:
0x65: {  	_ = 	snop;
	(pc) =	sbr.rel .LBB2_4-.Ltmp4, $1  }
0x66: {  	_ =	sdelay $0x3  }
.LBB2_6:
0x67: {  	_ =	sfence.sel $0x180000  }
0x68: {  	s2 =	simm.s32 $0x2;
	[bflag:$0x0] =	sbarrier.arrive $0xFFFF  }
0x69: {  	s30 =	simm.s32 $0x3;
	[sflag:s2] =	ssyncpa.u1 $0x1  }
0x6a: {  	s31 =	simm.s32 $0x1;
	[sflag:s30] =	ssyncpa.u1 $0x1  }
0x6b: {  	[sflag:s31] =	ssyncpa.u1 $0x1  }
0x6c: {  	p0 =	sne.s32 s1, $0x0;
	_ =	strace $0x90000047  }
0x6d: {  	s0 =	sadd.s32 @!p0 $0x100000, s0;
	[bflag:$0x2] =	sbarrier.arrive $0xFFFF  }
0x6e: {  	[sflag:s0] =	ssyncadd.tile.s32 @!p0 $0x1;
	_ =	shalt  }
.Lfunc_end2:
_tile_overlayer_lowered:
.L_overlay_start_2:
0x6f: {  	(tag) =	ssettag $0x2  }
0x70: {  	s0 =	rddreg [dreg:$0x0];
	s2 =	stileid.u32  }
0x71: {  	s1 =	rddreg [dreg:$0x1];
	p0 =	sne.s32 s2, $0x0  }
0x72: {  	s3 =	rddreg [dreg:$0x2];
	[bflag:$0x3] =	sbarrier.arrive $0xFFFF;
	s2 =	simm.s32 @!p0 $0x1C01  }
0x73: {  	[timem:s3], [sflag:s2] =	dma.local @!p0 [hbm:s0], s1  }
0x74: {  	s0 =	simm.s32 @!p0 $0x1  }
0x75: {  	_ =	swait.ge @!p0 [sflag:s0], s1  }
0x76: {  	s1 =	ssub.s32 @!p0 $0x0, s1;
	[sflag:s0] =	ssyncset.done @!p0 $0x0  }
0x77: {  	[sflag:s0] =	ssyncadd.s32 @!p0 s1  }
0x78: {  	[bflag:$0x3] =	sbarrier.arrive $0xFFFF  }
0x79: {  	_ =	shalt  }

</sc_bundles>
